<compile_context>
chip_gen: v7x
topology: tpu7x:2x2x1
jax: 0.10.2.dev20260603
libtpu: 0.0.44.dev20260713+nightly
codegen_flags: <defaults>
</compile_context>

<pallas_src>
import functools

import jax
import jax.numpy as jnp
from jax import lax
from jax.experimental import pallas as pl
from jax.experimental.pallas import tpu as pltpu
from jax.experimental.pallas import tpu_sc as plsc

_SC_SUBCORES = 16
_SC_LANES = 16
_N_HI = 16


def _sc_gather(emb, n_idx):
    d = emb.shape[1]
    mesh = plsc.VectorSubcoreMesh(
        core_axis_name="c", subcore_axis_name="s", num_cores=1
    )
    b_per_w = n_idx // _SC_SUBCORES

    @functools.partial(
        pl.kernel,
        mesh=mesh,
        out_type=jax.ShapeDtypeStruct((n_idx, d), emb.dtype),
        scratch_types=[
            pltpu.VMEM((b_per_w,), jnp.int32),
            pltpu.VMEM((b_per_w, d), jnp.float32),
            pltpu.SemaphoreType.DMA,
        ],
    )
    def gather_kernel(table_hbm, out_hbm, idx_v, rows_v, sem):
        wid = lax.axis_index("s")
        base = wid * b_per_w
        @pl.loop(0, b_per_w, step=_SC_LANES)
        def _(c):
            idx_v[pl.ds(c, _SC_LANES)] = (
                lax.iota(jnp.int32, _SC_LANES) + base + c
            )
        pltpu.async_copy(table_hbm.at[idx_v], rows_v, sem).wait()
        pltpu.sync_copy(rows_v, out_hbm.at[pl.ds(base, b_per_w)])

    return gather_kernel(emb)


def _add_body(x_ref, e_ref, o_ref):
    o_ref[...] = x_ref[...] + e_ref[...][None, :, None, :]


def _add_body_alias(x_ref, e_ref, _alias_ref, o_ref):
    o_ref[...] = x_ref[...] + e_ref[...][None, :, None, :]


def _tc_add_lo(x, emb, n_lo, bn):
    B, N, T, D = x.shape
    return pl.pallas_call(
        _add_body,
        grid=(n_lo // bn, B),
        in_specs=[
            pl.BlockSpec((1, bn, T, D), lambda j, i: (i, j, 0, 0)),
            pl.BlockSpec((bn, D), lambda j, i: (j, 0)),
        ],
        out_specs=pl.BlockSpec((1, bn, T, D), lambda j, i: (i, j, 0, 0)),
        out_shape=jax.ShapeDtypeStruct(x.shape, x.dtype),
        compiler_params=pltpu.CompilerParams(
            dimension_semantics=("parallel", "parallel")),
    )(x, emb)


def _tc_add_hi(x, pos, partial, n_lo, bn):
    B, N, T, D = x.shape
    n_hi = N - n_lo
    blk0 = n_lo // bn
    return pl.pallas_call(
        _add_body_alias,
        grid=(n_hi // bn, B),
        in_specs=[
            pl.BlockSpec((1, bn, T, D), lambda j, i: (i, j + blk0, 0, 0)),
            pl.BlockSpec((bn, D), lambda j, i: (j + blk0, 0)),
            pl.BlockSpec(memory_space=pl.ANY),
        ],
        out_specs=pl.BlockSpec(
            (1, bn, T, D), lambda j, i: (i, j + blk0, 0, 0)
        ),
        out_shape=jax.ShapeDtypeStruct(x.shape, x.dtype),
        input_output_aliases={2: 0},
        compiler_params=pltpu.CompilerParams(
            dimension_semantics=("parallel", "parallel")),
    )(x, pos, partial)


def kernel(x, emb):
    n = x.shape[1]
    n_lo = n - _N_HI
    partial = _tc_add_lo(x, emb, n_lo, bn=n_lo // 2)
    pos = _sc_gather(emb, n)
    return _tc_add_hi(x, pos, partial, n_lo, bn=_N_HI)

# --- scband reference (transcript-rebuilt; emitter-appended) ---
"""Pipeline reference for scband-learnable-positional-encoding-16123307229976 (READ-ONLY COPY).

The authoritative reference and input builder live on the scoring server;
editing this copy changes nothing except your own understanding.
"""

import jax, jax.numpy as jnp
import numpy as np

N_ATOMS_MAX = 512
D_MODEL = 1024
B = 4
N_ATOMS = 512
T_ATOM = 8


def setup_inputs(seed: int = 0) -> dict:
    key = jax.random.key(seed)
    k1, k2 = jax.random.split(key)
    x = jax.random.normal(k1, (B, N_ATOMS, T_ATOM, D_MODEL), dtype=jnp.float32)
    # learned embedding table, init like nn.Embedding (N(0,1))
    emb = jax.random.normal(k2, (N_ATOMS_MAX, D_MODEL), dtype=jnp.float32)
    return {"x": x, "emb": emb}


def reference(x, emb):
    Bx, n_atoms, t_atom, d = x.shape
    atom_ids = jnp.arange(n_atoms)                     # (N_atoms,)
    atom_ids = jnp.broadcast_to(atom_ids[None, :], (Bx, n_atoms))  # (B, N_atoms)
    atom_emb = jnp.take(emb, atom_ids, axis=0)         # (B, N_atoms, d) gather
    atom_emb = atom_emb[:, :, None, :]                 # (B, N_atoms, 1, d)
    return x + atom_emb

if __name__ == "__main__":
    import jax
    _d = setup_inputs()
    print(jax.jit(kernel)(*tuple(_d.values())))

</pallas_src>

<mosaic_0001>
#map = affine_map<(d0, d1) -> (0, 0)>
module attributes {stable_mosaic.version = 14 : i64} {
  func.func @gather_kernel(%arg0: i32, %arg1: i32, %arg2: memref<512x1024xf32, #tpu.memory_space<hbm>>, %arg3: memref<512x1024xf32, #tpu.memory_space<hbm>>, %arg4: memref<32xi32, #tpu.memory_space<vmem>>, %arg5: memref<32x1024xf32, #tpu.memory_space<vmem>>, %arg6: memref<!tpu.dma_semaphore, #tpu.memory_space<semaphore_mem>>) attributes {dimension_semantics = [#tpu.dimension_semantics<core_parallel>, #tpu.dimension_semantics<subcore_parallel>], iteration_bounds = array<i64: 1, 16>, scalar_prefetch = 0 : i64, scratch_operands = 3 : i64, tpu.core_type = #tpu.core_type<sc_vector_subcore>, window_params = [{transform_indices = #map}, {transform_indices = #map}]} {
    %mul3A = arith.constant 32 : i32
    %mul3A_0 = arith.muli %arg1, %mul3A : i32
    %scan3A = arith.constant 0 : i32
    %scan3A_1 = arith.constant 2 : i32
    %scan3A_2 = arith.addi %scan3A, %scan3A_1 : i32
    %scan3A_3 = arith.constant 1 : i32
    scf.for %scan3A_9 = %scan3A to %scan3A_2 step %scan3A_3  : i32 {
      %mul3A_10 = arith.constant 16 : i32
      %mul3A_11 = arith.muli %scan3A_9, %mul3A_10 : i32
      %add3A = arith.constant 0 : i32
      %add3A_12 = arith.addi %add3A, %mul3A_11 : i32
      %iota3A = tpu.iota {dimensions = array<i32: 0>} : vector<16xi32>
      %add3A_13 = vector.broadcast %mul3A_0 : i32 to vector<16xi32>
      %add3A_14 = arith.addi %iota3A, %add3A_13 : vector<16xi32>
      %add3A_15 = vector.broadcast %add3A_12 : i32 to vector<16xi32>
      %add3A_16 = arith.addi %add3A_14, %add3A_15 : vector<16xi32>
      %swap3A = arith.index_cast %add3A_12 : i32 to index
      %swap3A_17 = tpu.vector_load %arg4[%swap3A] {strides = array<i32>} : memref<32xi32, #tpu.memory_space<vmem>>, vector<16xi32>,
      %swap3A_18 = vector.shape_cast %swap3A_17 : vector<16xi32> to vector<16xi32>
      %swap3A_19 = vector.shape_cast %add3A_16 : vector<16xi32> to vector<16xi32>
      tpu.vector_store %arg4[%swap3A], %swap3A_19 {strides = array<i32>} : memref<32xi32, #tpu.memory_space<vmem>>, vector<16xi32>,
    }
    %scan3A_4 = arith.constant 2 : i32
    %dma_start3A = arith.constant 0 : i32
    %dma_start3A_5 = arith.constant 0 : i32
    %dma_start3A_6 = tpu.memref_slice %arg2[%dma_start3A, %dma_start3A_5] : memref<512x1024xf32, #tpu.memory_space<hbm>> -> memref<512x1024xf32, #tpu.memory_space<hbm>>
    tpu.enqueue_indirect_dma source(%dma_start3A_6 : memref<512x1024xf32, #tpu.memory_space<hbm>>) target(%arg5 : memref<32x1024xf32, #tpu.memory_space<vmem>>) offsets(%arg4 : memref<32xi32, #tpu.memory_space<vmem>>) semaphore(%arg6 : memref<!tpu.dma_semaphore, #tpu.memory_space<semaphore_mem>>)
    %dma_wait3A = arith.constant 0 : i32
    %dma_wait3A_7 = arith.constant 0 : i32
    %dma_wait3A_8 = tpu.memref_slice %arg2[%dma_wait3A, %dma_wait3A_7] : memref<512x1024xf32, #tpu.memory_space<hbm>> -> memref<512x1024xf32, #tpu.memory_space<hbm>>
    tpu.wait_indirect_dma semaphore(%arg6 : memref<!tpu.dma_semaphore, #tpu.memory_space<semaphore_mem>>) src(%dma_wait3A_8 : memref<512x1024xf32, #tpu.memory_space<hbm>>) dst(%arg5 : memref<32x1024xf32, #tpu.memory_space<vmem>>)
    "tpu.region"() ({
      %run_scoped3A = tpu.sem_alloc : memref<!tpu.dma_semaphore, #tpu.memory_space<semaphore_mem>>
      %dma_start3A_9 = arith.constant 0 : i32
      %dma_start3A_10 = tpu.memref_slice %arg3[%mul3A_0, %dma_start3A_9] : memref<512x1024xf32, #tpu.memory_space<hbm>> -> memref<32x1024xf32, #tpu.memory_space<hbm>>
      %dma_start3A_11 = arith.constant 0 : i32
      %dma_start3A_12 = tpu.memref_slice %arg3[%mul3A_0, %dma_start3A_11] : memref<512x1024xf32, #tpu.memory_space<hbm>> -> memref<32x1024xf32, #tpu.memory_space<hbm>>
      tpu.enqueue_dma source(%arg5 : memref<32x1024xf32, #tpu.memory_space<vmem>>) target(%dma_start3A_12 : memref<32x1024xf32, #tpu.memory_space<hbm>>) target_semaphore(%run_scoped3A : memref<!tpu.dma_semaphore, #tpu.memory_space<semaphore_mem>>)
      %dma_wait3A_13 = arith.constant 0 : i32
      %dma_wait3A_14 = tpu.memref_slice %arg3[%mul3A_0, %dma_wait3A_13] : memref<512x1024xf32, #tpu.memory_space<hbm>> -> memref<32x1024xf32, #tpu.memory_space<hbm>>
      %dma_wait3A_15 = arith.constant 0 : i32
      %dma_wait3A_16 = tpu.memref_slice %arg3[%mul3A_0, %dma_wait3A_15] : memref<512x1024xf32, #tpu.memory_space<hbm>> -> memref<32x1024xf32, #tpu.memory_space<hbm>>
      tpu.wait_dma2 semaphore(%run_scoped3A : memref<!tpu.dma_semaphore, #tpu.memory_space<semaphore_mem>>) src(%arg5 : memref<32x1024xf32, #tpu.memory_space<vmem>>) dst(%dma_wait3A_16 : memref<32x1024xf32, #tpu.memory_space<hbm>>)
      tpu.yield
    }) : () -> ()
    return
  }
}

module attributes {stable_mosaic.version = 14 : i64} {
  func.func @_add_body(%arg0: i32, %arg1: i32, %arg2: memref<1x248x8x1024xf32, #tpu.memory_space<vmem>>, %arg3: memref<248x1024xf32, #tpu.memory_space<vmem>>, %arg4: memref<1x248x8x1024xf32, #tpu.memory_space<vmem>>) attributes {dimension_semantics = [#tpu.dimension_semantics<parallel>, #tpu.dimension_semantics<parallel>], iteration_bounds = array<i64: 2, 4>, scalar_prefetch = 0 : i64, scratch_operands = 0 : i64, tpu.core_type = #tpu.core_type<tc>, window_params = [{transform_indices = @transform_0, window_bounds = array<i64: 1, 248, 8, 1024>}, {transform_indices = @transform_1, window_bounds = array<i64: 248, 1024>}, {transform_indices = @transform_2, window_bounds = array<i64: 1, 248, 8, 1024>}]} {
    %get3A = arith.constant 0 : index
    %get3A_0 = arith.constant 0 : index
    %get3A_1 = arith.constant 0 : index
    %get3A_2 = arith.constant 0 : index
    %get3A_3 = vector.load %arg2[%get3A, %get3A_0, %get3A_1, %get3A_2] : memref<1x248x8x1024xf32, #tpu.memory_space<vmem>>, vector<1x248x8x1024xf32>
    %get3A_4 = arith.constant 0 : index
    %get3A_5 = arith.constant 0 : index
    %get3A_6 = vector.load %arg3[%get3A_4, %get3A_5] : memref<248x1024xf32, #tpu.memory_space<vmem>>, vector<248x1024xf32>
    %broadcast_in_dim3A = vector.shape_cast %get3A_6 : vector<248x1024xf32> to vector<1x248x1x1024xf32>
    %add3A = vector.broadcast %broadcast_in_dim3A : vector<1x248x1x1024xf32> to vector<1x248x8x1024xf32>
    %add3A_7 = arith.addf %get3A_3, %add3A : vector<1x248x8x1024xf32>
    %swap3A = arith.constant 0 : index
    %swap3A_8 = arith.constant 0 : index
    %swap3A_9 = arith.constant 0 : index
    %swap3A_10 = arith.constant 0 : index
    %swap3A_11 = vector.load %arg4[%swap3A, %swap3A_8, %swap3A_9, %swap3A_10] : memref<1x248x8x1024xf32, #tpu.memory_space<vmem>>, vector<1x248x8x1024xf32>
    tpu.vector_store %arg4[%swap3A, %swap3A_8, %swap3A_9, %swap3A_10], %add3A_7 {strides = array<i32>} : memref<1x248x8x1024xf32, #tpu.memory_space<vmem>>, vector<1x248x8x1024xf32>,
    return
  }
  func.func @transform_0(%arg0: i32, %arg1: i32) -> (i32, i32, i32, i32) {
    %c0_i32 = arith.constant 0 : i32
    %c0_i32_0 = arith.constant 0 : i32
    %c0_i32_1 = arith.constant 0 : i32
    return %arg1, %arg0, %c0_i32, %c0_i32_0 : i32, i32, i32, i32
  }
  func.func @transform_1(%arg0: i32, %arg1: i32) -> (i32, i32) {
    %c0_i32 = arith.constant 0 : i32
    %c0_i32_0 = arith.constant 0 : i32
    return %arg0, %c0_i32 : i32, i32
  }
  func.func @transform_2(%arg0: i32, %arg1: i32) -> (i32, i32, i32, i32) {
    %c0_i32 = arith.constant 0 : i32
    %c0_i32_0 = arith.constant 0 : i32
    %c0_i32_1 = arith.constant 0 : i32
    return %arg1, %arg0, %c0_i32, %c0_i32_0 : i32, i32, i32, i32
  }
}

module attributes {stable_mosaic.version = 14 : i64} {
  func.func @_add_body_alias(%arg0: i32, %arg1: i32, %arg2: memref<1x16x8x1024xf32, #tpu.memory_space<vmem>>, %arg3: memref<16x1024xf32, #tpu.memory_space<vmem>>, %arg4: memref<4x512x8x1024xf32, #tpu.memory_space<any>>, %arg5: memref<1x16x8x1024xf32, #tpu.memory_space<vmem>>) attributes {dimension_semantics = [#tpu.dimension_semantics<parallel>, #tpu.dimension_semantics<parallel>], iteration_bounds = array<i64: 1, 4>, scalar_prefetch = 0 : i64, scratch_operands = 0 : i64, tpu.core_type = #tpu.core_type<tc>, window_params = [{transform_indices = @transform_0, window_bounds = array<i64: 1, 16, 8, 1024>}, {transform_indices = @transform_1, window_bounds = array<i64: 16, 1024>}, {}, {transform_indices = @transform_3, window_bounds = array<i64: 1, 16, 8, 1024>}]} {
    %get3A = arith.constant 0 : index
    %get3A_0 = arith.constant 0 : index
    %get3A_1 = arith.constant 0 : index
    %get3A_2 = arith.constant 0 : index
    %get3A_3 = vector.load %arg2[%get3A, %get3A_0, %get3A_1, %get3A_2] : memref<1x16x8x1024xf32, #tpu.memory_space<vmem>>, vector<1x16x8x1024xf32>
    %get3A_4 = arith.constant 0 : index
    %get3A_5 = arith.constant 0 : index
    %get3A_6 = vector.load %arg3[%get3A_4, %get3A_5] : memref<16x1024xf32, #tpu.memory_space<vmem>>, vector<16x1024xf32>
    %broadcast_in_dim3A = vector.shape_cast %get3A_6 : vector<16x1024xf32> to vector<1x16x1x1024xf32>
    %add3A = vector.broadcast %broadcast_in_dim3A : vector<1x16x1x1024xf32> to vector<1x16x8x1024xf32>
    %add3A_7 = arith.addf %get3A_3, %add3A : vector<1x16x8x1024xf32>
    %swap3A = arith.constant 0 : index
    %swap3A_8 = arith.constant 0 : index
    %swap3A_9 = arith.constant 0 : index
    %swap3A_10 = arith.constant 0 : index
    %swap3A_11 = vector.load %arg5[%swap3A, %swap3A_8, %swap3A_9, %swap3A_10] : memref<1x16x8x1024xf32, #tpu.memory_space<vmem>>, vector<1x16x8x1024xf32>
    tpu.vector_store %arg5[%swap3A, %swap3A_8, %swap3A_9, %swap3A_10], %add3A_7 {strides = array<i32>} : memref<1x16x8x1024xf32, #tpu.memory_space<vmem>>, vector<1x16x8x1024xf32>,
    return
  }
  func.func @transform_0(%arg0: i32, %arg1: i32) -> (i32, i32, i32, i32) {
    %add3A = arith.constant 31 : i32
    %add3A_0 = arith.addi %arg0, %add3A : i32
    %c0_i32 = arith.constant 0 : i32
    %c0_i32_1 = arith.constant 0 : i32
    %c0_i32_2 = arith.constant 0 : i32
    return %arg1, %add3A_0, %c0_i32, %c0_i32_1 : i32, i32, i32, i32
  }
  func.func @transform_1(%arg0: i32, %arg1: i32) -> (i32, i32) {
    %add3A = arith.constant 31 : i32
    %add3A_0 = arith.addi %arg0, %add3A : i32
    %c0_i32 = arith.constant 0 : i32
    %c0_i32_1 = arith.constant 0 : i32
    return %add3A_0, %c0_i32 : i32, i32
  }
  func.func @transform_3(%arg0: i32, %arg1: i32) -> (i32, i32, i32, i32) {
    %add3A = arith.constant 31 : i32
    %add3A_0 = arith.addi %arg0, %add3A : i32
    %c0_i32 = arith.constant 0 : i32
    %c0_i32_1 = arith.constant 0 : i32
    %c0_i32_2 = arith.constant 0 : i32
    return %arg1, %add3A_0, %c0_i32, %c0_i32_1 : i32, i32, i32, i32
  }
}

</mosaic_0001>

<sc_bundles>
// kernel: kernel.5.cloned.1.call-start
scs
__scs_entry_jumppad:
0x0: {  	(pc) =	sbr.rel $0x88, $3  }
0x1: {  	(tag) =	ssettag $0x0;
	lr =	simm.s32 $0x1  }
0x2: {  	[smem:$0x3F9F] =	sst lr;
	_ =	strace $0xD0000000  }
0x3: {  	_ = 	snop  }
0x4: {  	_ = 	snop  }
0x5: {  	_ = 	snop  }
0x6: {  	_ = 	snop  }
0x7: {  	_ = 	snop  }
__scs_overlays_trampoline_lowered:
0x8: {  	[smem:$0x3FAE] =	sst s0  }
0x9: {  	[smem:$0x3FAF] =	sst s1  }
0xa: {  	[smem:$0x3FB0] =	sst s2  }
0xb: {  	[smem:$0x3FB1] =	sst s3  }
0xc: {  	[smem:$0x3FB2] =	sst s4  }
0xd: {  	[smem:$0x3FB3] =	sst s5  }
0xe: {  	[smem:$0x3FB4] =	sst s6  }
0xf: {  	[smem:$0x3FB5] =	sst s7  }
0x10: {  	[smem:$0x3FB6] =	sst s8  }
0x11: {  	[smem:$0x3FB7] =	sst s9;
	s0 =	simm.s32 @!p0 $0x0  }
0x12: {  	s1 =	sld [smem:$0x3F9D];
	s0 =	simm.s32 @p0 $0x1  }
0x13: {  	[smem:$0x3FB8] =	sst s0;
	s0 =	simm.s32 @!p1 $0x0  }
0x14: {  	s2 =	sld [smem:$0x3F9C];
	s0 =	simm.s32 @p1 $0x1  }
0x15: {  	[smem:$0x3FB9] =	sst s0;
	s0 =	simm.s32 @!p2 $0x0  }
0x16: {  	s3 =	sld [smem:$0x3FDB];
	s0 =	simm.s32 @p2 $0x1  }
0x17: {  	s4 =	simm.s32 $0x1BF5;
	[smem:$0x3FBB] =	sst s0  }
0x18: {  	s0 =	sld [smem:$0x3F9E];
	_ =	swait.ge [sflag:s4], $0x0  }
0x19: {  	s7 =	sld [smem:$0x3F9F]  }
0x1a: {  	s8 =	sadd.s32 $0xFFFFE003, lr  }
0x1b: {  	s9 =	sadd.s32 $0xFFFFFEF7, lr;
	s5 =	simm.s32 $0xFFFFFFFF;
	p2 =	slt.u32 s8, $0xFFFFF086  }
0x1c: {  	p1 =	slt.u32 s9, $0xF7A;
	s5 =	simm.s32 @!p2 $0x0  }
0x1d: {  	s5 =	simm.s32 @p1 $0x1;
	p0 =	seq.s32 s7, s2  }
0x1e: {  	s7 =	smul.u32 @!p0 $0xF7A, s2;
	p2 =	seq.s32 @!p0 s5, $0x0  }
0x1f: {  	s9 =	smul.u32 $0xF7A, s1;
	s8 =	simm.s32 @!p0 $0x1BF5;
	p2 =	por !p2, p0  }
0x20: {  	[sflag:s8] =	ssyncset.s32 @!p0 $0xFFFFF086;
	s6 =	sadd.s32 @!p0 s3, s7;
	s7 =	simm.s32 @!p0 $0x108  }
0x21: {  	s3 =	sadd.s32 s3, s9;
	s6 =	sadd.s32 @!p0 $0x88, s6;
	s7 =	simm.s32 @p2 $0x1082  }
0x22: {  	[simem:s7], [sflag:s8] =	dma.local @!p0 [hbm:s6], $0xF7A  }
0x23: {  	s9 =	sor.u32 $0xD0000000, s2;
	s6 =	simm.s32 $0x108;
	_ =	swait.ge @!p0 [sflag:s8], $0x0  }
0x24: {  	s3 =	sadd.s32 $0x88, s3;
	s6 =	simm.s32 @!p1 $0x1082;
	[sflag:s4] =	ssyncset.s32 $0xFFFFF086  }
0x25: {  	[simem:s6], [sflag:s4] =	dma.local [hbm:s3], $0xF7A  }
0x26: {  	[smem:$0x3F9F] =	sst s1;
	(tag) =	ssettag s2;
	_ =	strace s9  }
0x27: {  	s1 =	sld [smem:$0x3FAF]  }
0x28: {  	s2 =	sld [smem:$0x3FB0]  }
0x29: {  	s4 =	sld [smem:$0x3FB2]  }
0x2a: {  	p0 =	seq.s32 s5, $0x0;
	s5 =	sld [smem:$0x3FB3]  }
0x2b: {  	s6 =	sld [smem:$0x3FB4]  }
0x2c: {  	s7 =	sld [smem:$0x3FB5]  }
0x2d: {  	s3 =	simm.s32 $0x108;
	s8 =	sld [smem:$0x3FB6]  }
0x2e: {  	s3 =	simm.s32 @!p0 $0x1082;
	s9 =	sld [smem:$0x3FB7]  }
0x2f: {  	lr =	sadd.s32 s0, s3;
	s0 =	sld [smem:$0x3FAE]  }
0x30: {  	s3 =	sld [smem:$0x3FB1]  }
0x31: {  	[smem:$0x3FBA] =	sst s10  }
0x32: {  	s10 =	sld [smem:$0x3FB8];
	_ =	sdelay $0x3  }
0x33: {  	p0 =	seq.s32 s10, $0x1;
	s10 =	sld [smem:$0x3FBA];
	_ =	sdelay $0x3  }
0x34: {  	[smem:$0x3FBA] =	sst s10  }
0x35: {  	s10 =	sld [smem:$0x3FB9];
	_ =	sdelay $0x3  }
0x36: {  	p1 =	seq.s32 s10, $0x1;
	s10 =	sld [smem:$0x3FBA];
	_ =	sdelay $0x3  }
0x37: {  	[smem:$0x3FBA] =	sst s10  }
0x38: {  	s10 =	sld [smem:$0x3FBB]  }
0x39: {  	_ = 	snop;
	(pc) =	sbr.ind lr, $3  }
0x3a: {  	_ = 	snop  }
0x3b: {  	_ = 	snop  }
0x3c: {  	p2 =	seq.s32 s10, $0x1;
	s10 =	sld [smem:$0x3FBA]  }
0x3d: {  	_ =	shalt  }
0x3e: {  	_ =	shalt  }
0x3f: {  	_ =	shalt  }
0x40: {  	_ =	shalt  }
0x41: {  	_ =	shalt  }
0x42: {  	_ =	shalt  }
0x43: {  	_ =	shalt  }
0x44: {  	_ =	shalt  }
0x45: {  	_ =	shalt  }
0x46: {  	_ =	shalt  }
0x47: {  	_ =	shalt  }
0x48: {  	_ =	shalt  }
0x49: {  	_ =	shalt  }
0x4a: {  	_ =	shalt  }
0x4b: {  	_ =	shalt  }
0x4c: {  	_ =	shalt  }
0x4d: {  	_ =	shalt  }
0x4e: {  	_ =	shalt  }
0x4f: {  	_ =	shalt  }
0x50: {  	_ =	shalt  }
0x51: {  	_ =	shalt  }
0x52: {  	_ =	shalt  }
0x53: {  	_ =	shalt  }
0x54: {  	_ =	shalt  }
0x55: {  	_ =	shalt  }
0x56: {  	_ =	shalt  }
0x57: {  	_ =	shalt  }
0x58: {  	_ =	shalt  }
0x59: {  	_ =	shalt  }
0x5a: {  	_ =	shalt  }
0x5b: {  	_ =	shalt  }
0x5c: {  	_ =	shalt  }
0x5d: {  	_ =	shalt  }
0x5e: {  	_ =	shalt  }
0x5f: {  	_ =	shalt  }
0x60: {  	_ =	shalt  }
0x61: {  	_ =	shalt  }
0x62: {  	_ =	shalt  }
0x63: {  	_ =	shalt  }
0x64: {  	_ =	shalt  }
0x65: {  	_ =	shalt  }
0x66: {  	_ =	shalt  }
0x67: {  	_ =	shalt  }
0x68: {  	_ =	shalt  }
0x69: {  	_ =	shalt  }
0x6a: {  	_ =	shalt  }
0x6b: {  	_ =	shalt  }
0x6c: {  	_ =	shalt  }
0x6d: {  	_ =	shalt  }
0x6e: {  	_ =	shalt  }
0x6f: {  	_ =	shalt  }
0x70: {  	_ =	shalt  }
0x71: {  	_ =	shalt  }
0x72: {  	_ =	shalt  }
0x73: {  	_ =	shalt  }
0x74: {  	_ =	shalt  }
0x75: {  	_ =	shalt  }
0x76: {  	_ =	shalt  }
0x77: {  	_ =	shalt  }
0x78: {  	_ =	shalt  }
0x79: {  	_ =	shalt  }
0x7a: {  	_ =	shalt  }
0x7b: {  	_ =	shalt  }
0x7c: {  	_ =	shalt  }
0x7d: {  	_ =	shalt  }
0x7e: {  	_ =	shalt  }
0x7f: {  	_ =	shalt  }
0x80: {  	_ =	shalt  }
0x81: {  	_ =	shalt  }
0x82: {  	_ =	shalt  }
0x83: {  	_ =	shalt  }
0x84: {  	_ =	shalt  }
0x85: {  	_ =	shalt  }
0x86: {  	_ =	shalt  }
0x87: {  	_ =	shalt  }
.Lfunc_end0:
.L_simem_size_0:
called_computation_lowered:
.L_overlay_start_0:
0x88: {  	s0 =	sld [smem:$0x3FD9]  }
0x89: {  	s1 =	sld [smem:$0x3FFE];
	_ =	sdelay $0x3  }
0x8a: {  	s0 =	sadd.s32 s1, s0  }
0x8b: {  	[smem:$0x3FC6] =	sst s0  }
0x8c: {  	_ = 	snop  }
0x8d: {  	s0 =	sld [smem:$0x3FC8];
	(tm) =	ssettm $0x1  }
0x8e: {  	s16 =	sld [smem:$0x3FFB];
	_ =	sdelay $0x3  }
0x8f: {  	_ =	strace s16  }
0x90: {  	s1 =	sld [smem:$0x3FFC];
	_ =	sdelay $0x3  }
0x91: {  	_ =	strace s1  }
0x92: {  	s1 =	sld [smem:$0x3FFD];
	_ =	sdelay $0x3  }
0x93: {  	_ =	strace s1  }
0x94: {  	_ =	strace $0x8FFFFFFF  }
0x95: {  	s17 =	sld [smem:$0x3FDB];
	_ =	sdelay $0x1  }
0x96: {  	s2 =	simm.s32 $_scs_section_size  }
0x97: {  	s3 =	simm.s32 $_size__tile_overlayer_lowered;
	s4 =	simm.s32 $_tile_overlayer_lowered  }
0x98: {  	s20 =	simm.s32 $0x1BFF;
	s19 =	sshll.u32 s4, $0x1;
	s1 =	sadd.s32 s2, s17  }
0x99: {  	s5 =	simm.s32 $0x0;
	s18 =	sshll.u32 s3, $0x1;
	s3 =	sadd.s32 s19, s1  }
0x9a: {  	[timem:s5], [sflag:s20] =	dma.local [hbm:s3], s18  }
0x9b: {  	_ =	swait.ge [sflag:s20], s18  }
0x9c: {  	s2 =	ssub.s32 $0x0, s18;
	[sflag:s20] =	ssyncset.done $0x0  }
0x9d: {  	[sflag:s20] =	ssyncadd.s32 s2;
	_ =	sdelay $0x1  }
0x9e: {  	s21 =	simm.s32 $0x1B8B  }
0x9f: {  	_ =	swait.ge [sflag:s21], $0x1  }
0xa0: {  	[sflag:s21] =	ssyncset.done $0x0  }
0xa1: {  	s23 =	simm.s32 $0x1B8E;
	s22 =	sld [smem:$0x3FFE];
	[sflag:s21] =	ssyncadd.s32 $0xFFFFFFFF  }
0xa2: {  	s24 =	simm.s32 $execute0_lowered;
	[smem:$0x3FD2] =	sst s23  }
0xa3: {  	s3 =	sshll.u32 s24, $0x1;
	_ =	strace $0x80000046;
	[dreg:$0x1] =	wrdreg $0xFFFFFFFF  }
0xa4: {  	s25 =	simm.s32 $_size_execute0_lowered;
	s1 =	sadd.s32 s1, s3;
	[dreg:$0x0] =	wrdreg $0x0  }
0xa5: {  	s3 =	sshll.u32 s25, $0x1;
	[dreg:$0x2] =	wrdreg s1  }
0xa6: {  	[dreg:$0x3] =	wrdreg s3  }
0xa7: {  	[dreg:$0x4] =	wrdreg $0xC0  }
0xa8: {  	_ =	task [dreg:s5], $0x5FFFF  }
0xa9: {  	[dreg:$0x1] =	wrdreg $0xFFFFFFFF  }
0xaa: {  	[dreg:$0x0] =	wrdreg $0x60  }
0xab: {  	[dreg:$0x2] =	wrdreg s0  }
0xac: {  	[dreg:$0x3] =	wrdreg s22  }
0xad: {  	[dreg:$0x4] =	wrdreg $0x9  }
0xae: {  	_ =	task.clear_ibuf [dreg:s5], $0x5FFFF;
	_ =	strace $0x90000046  }
0xaf: {  	s26 =	simm.s32 $0x9;
	_ =	strace $0x80000048  }
0xb0: {  	_ =	swait.ge [sflag:s26], $0x1  }
0xb1: {  	[sflag:s26] =	ssyncadd.s32 $0xFFFFFFFF  }
0xb2: {  	_ =	strace $0x90000048  }
0xb3: {  	_ =	sfence  }
0xb4: {  	s28 =	sld [smem:$0x0];
	_ =	sdelay $0x1  }
0xb5: {  	s29 =	srdreg.scid  }
0xb6: {  	s30 =	sshll.u32 s29, $0xD;
	s31 =	sshrl.u32 s29, $0x2  }
0xb7: {  	s2 =	sand.u32 $0x4000, s30;
	s1 =	sand.u32 $0x1, s29;
	s0 =	sadd.s32 s31, s28  }
0xb8: {  	s1 =	sor.u32 s2, s1;
	s0 =	sshll.u32 s0, $0x11  }
0xb9: {  	s0 =	sor.u32 s0, s1  }
0xba: {  	s0 =	sadd.s32 $0x8F2B, s0  }
0xbb: {  	[sflag:s0] =	ssyncadd.remote.s32 $0x1  }
0xbc: {  	_ =	sfence.sel $0xFFFF  }
0xbd: {  	[dreg:$0x0] =	wrdreg $0xFFFFFFFF;
	(pc) =	sbr.abs _section_cstart, $3  }
0xbe: {  	[dreg:$0x1] =	wrdreg $0xFFFFFFFF  }
0xbf: {  	_ =	task.clear_ibuf [dreg:s5], $0x2FFFF;
	_ =	strace $0x9FFFFFFF  }
0xc0: {  	(tm) =	ssettm $0x7FFFFFFF  }
0xc1: {  	_ =	shalt  }
tec
execute0_lowered:
.L_overlay_start_1:
0x0: {  	(tag) =	ssettag $0x1  }
0x1: {  	s0 =	stileid.u32  }
0x2: {  	v0 =	vlaneseq.u32;
	s1 =	sshll.u32 s0, $0x5  }
0x3: {  	v1 =	vor.u32 s1, v0  }
0x4: {  	v2 =	vshll.u32 v1, $0x3  }
0x5: {  	v3 =	vand.u32 $0x7, v0;
	v2 =	vand.u32 $0xF40, v2  }
0x6: {  	v4 =	vshrl.u32 v0, $0x3;
	v2 =	vor.u32 v3, v2  }
0x7: {  	v4 =	vmul.u32 $0x8, v4;
	v5 =	vperm.xlane v2, v3  }
0x8: {  	v6 =	vmov s1  }
0x9: {  	s4 =	rddreg [dreg:$0x0];
	v6 =	vor.u32 $0x10, v6;
	v5 =	vadd.s32 v4, v5  }
0xa: {  	s3 =	rddreg [dreg:$0x1];
	s2 =	simm.s32 $0x0;
	v6 =	vbroadcast v6, $0x0  }
0xb: {  	[smem:$0x7FF] =	sst s2  }
0xc: {  	s1 =	rddreg [dreg:$0x2];
	_ =	strace $0x80000047;
	[tilespmem:$0x0] =	vst v1;
	v61 =	vor.u32 v0, v6  }
0xd: {  	vm0 =	vmmov $0xffff;
	s5 =	simm.s32 $0x80;
	[tilespmem:$0x10] =	vst v61  }
0xe: {  	v0 =	vor.u32 $0x8, v0;
	[tilespmem:s5], [sflag:$0x1] =	stream.indirect_vreg.gather [hbm4b:s4+s2], $0x80, v5, vm0, $0xb8;
	[tilespmem:$0x8080] =	vst v63  }
0xf: {  	s7 =	simm.s32 $0x880;
	s6 =	sadd.s32 $0x100, s4;
	v62 =	vperm.xlane v2, v0  }
0x10: {  	[tilespmem:s7], [sflag:$0x1] =	stream.indirect_vreg.gather [hbm4b:s6+s2], $0x80, v5, vm0, $0xb8;
	[tilespmem:$0x8080] =	vst v63  }
0x11: {  	s8 =	simm.s32 $0x1080;
	s14 =	sadd.s32 $0x200, s4;
	v1 =	vadd.s32 v4, v62  }
0x12: {  	[tilespmem:s8], [sflag:$0x1] =	stream.indirect_vreg.gather [hbm4b:s14+s2], $0x80, v5, vm0, $0xb8;
	[tilespmem:$0x8080] =	vst v63  }
0x13: {  	s9 =	simm.s32 $0x1880;
	s15 =	sadd.s32 $0x300, s4  }
0x14: {  	[tilespmem:s9], [sflag:$0x1] =	stream.indirect_vreg.gather [hbm4b:s15+s2], $0x80, v5, vm0, $0xb8;
	[tilespmem:$0x8080] =	vst v63  }
0x15: {  	s16 =	simm.s32 $0x2080  }
0x16: {  	[tilespmem:s16], [sflag:$0x1] =	stream.indirect_vreg.gather [hbm4b:s4+s2], $0x80, v1, vm0, $0xb8;
	[tilespmem:$0x8080] =	vst v63  }
0x17: {  	s17 =	simm.s32 $0x2880  }
0x18: {  	[tilespmem:s17], [sflag:$0x1] =	stream.indirect_vreg.gather [hbm4b:s6+s2], $0x80, v1, vm0, $0xb8;
	[tilespmem:$0x8080] =	vst v63  }
0x19: {  	s18 =	simm.s32 $0x3080  }
0x1a: {  	[tilespmem:s18], [sflag:$0x1] =	stream.indirect_vreg.gather [hbm4b:s14+s2], $0x80, v1, vm0, $0xb8;
	[tilespmem:$0x8080] =	vst v63  }
0x1b: {  	s19 =	simm.s32 $0x3880  }
0x1c: {  	[tilespmem:s19], [sflag:$0x1] =	stream.indirect_vreg.gather [hbm4b:s15+s2], $0x80, v1, vm0, $0xb8;
	[tilespmem:$0x8080] =	vst v63  }
0x1d: {  	v1 =	vld [tilespmem:$0x10];
	_ =	sdelay $0x4  }
0x1e: {  	v63 =	vshll.u32 v1, $0x3  }
0x1f: {  	v1 =	vand.u32 $0x7, v1;
	v2 =	vand.u32 $0xFFFFFFC0, v63  }
0x20: {  	v1 =	vor.u32 v1, v2  }
0x21: {  	v2 =	vperm.xlane v1, v3;
	_ =	sdelay $0x1  }
0x22: {  	v2 =	vadd.s32 v4, v2;
	_ =	sdelay $0x3  }
0x23: {  	s20 =	simm.s32 $0x4080  }
0x24: {  	[tilespmem:s20], [sflag:$0x1] =	stream.indirect_vreg.gather [hbm4b:s4+s2], $0x80, v2, vm0, $0xb8;
	[tilespmem:$0x8080] =	vst v63  }
0x25: {  	s21 =	simm.s32 $0x4880;
	v0 =	vperm.xlane v1, v0  }
0x26: {  	[tilespmem:s21], [sflag:$0x1] =	stream.indirect_vreg.gather [hbm4b:s6+s2], $0x80, v2, vm0, $0xb8;
	[tilespmem:$0x8080] =	vst v63  }
0x27: {  	s22 =	simm.s32 $0x5080;
	v0 =	vadd.s32 v4, v0  }
0x28: {  	[tilespmem:s22], [sflag:$0x1] =	stream.indirect_vreg.gather [hbm4b:s14+s2], $0x80, v2, vm0, $0xb8;
	[tilespmem:$0x8080] =	vst v63  }
0x29: {  	s23 =	simm.s32 $0x5880  }
0x2a: {  	[tilespmem:s23], [sflag:$0x1] =	stream.indirect_vreg.gather [hbm4b:s15+s2], $0x80, v2, vm0, $0xb8;
	[tilespmem:$0x8080] =	vst v63  }
0x2b: {  	s24 =	simm.s32 $0x6080  }
0x2c: {  	[tilespmem:s24], [sflag:$0x1] =	stream.indirect_vreg.gather [hbm4b:s4+s2], $0x80, v0, vm0, $0xb8;
	[tilespmem:$0x8080] =	vst v63  }
0x2d: {  	s25 =	simm.s32 $0x6880  }
0x2e: {  	[tilespmem:s25], [sflag:$0x1] =	stream.indirect_vreg.gather [hbm4b:s6+s2], $0x80, v0, vm0, $0xb8;
	[tilespmem:$0x8080] =	vst v63  }
0x2f: {  	s26 =	simm.s32 $0x7080  }
0x30: {  	[tilespmem:s26], [sflag:$0x1] =	stream.indirect_vreg.gather [hbm4b:s14+s2], $0x80, v0, vm0, $0xb8;
	[tilespmem:$0x8080] =	vst v63  }
0x31: {  	s28 =	simm.s32 $0x7880;
	s29 =	simm.s32 $0x1  }
0x32: {  	[tilespmem:s28], [sflag:$0x1] =	stream.indirect_vreg.gather [hbm4b:s15+s2], $0x80, v0, vm0, $0xb8;
	[tilespmem:$0x8080] =	vst v63  }
0x33: {  	s30 =	sshll.u32 s0, $0xC;
	_ =	swait.ge [sflag:s29], $0x8000  }
0x34: {  	s3 =	sadd.s32 s30, s3;
	[sflag:s29] =	ssyncset.done $0x0  }
0x35: {  	s31 =	simm.s32 $0x2;
	s3 =	sadd.s32 $0x800, s3;
	[sflag:s29] =	ssyncadd.s32 $0xFFFF8000  }
0x36: {  	[hbm4b:s3+s2] =	stream.linear.scatter [tilespmem:s5], [sflag:$0x2], $0x8000, $0x38;
	[tilespmem:$0x8080] =	vst v63  }
0x37: {  	_ =	swait.ge [sflag:s31], $0x8000  }
0x38: {  	[sflag:s31] =	ssyncset.done $0x0  }
0x39: {  	[sflag:s31] =	ssyncadd.s32 $0xFFFF8000  }
0x3a: {  	_ =	sfence.sel $0x180000  }
0x3b: {  	[bflag:$0x0] =	sbarrier.arrive $0xFFFF  }
0x3c: {  	p0 =	sne.s32 s0, $0x0;
	_ =	strace $0x90000047  }
0x3d: {  	s0 =	sadd.s32 @!p0 $0x100000, s1;
	[bflag:$0x2] =	sbarrier.arrive $0xFFFF  }
0x3e: {  	[sflag:s0] =	ssyncadd.tile.s32 @!p0 $0x1;
	_ =	shalt  }
.Lfunc_end2:
_tile_overlayer_lowered:
.L_overlay_start_2:
0x3f: {  	(tag) =	ssettag $0x2  }
0x40: {  	s0 =	rddreg [dreg:$0x0];
	s2 =	stileid.u32  }
0x41: {  	s1 =	rddreg [dreg:$0x1];
	p0 =	sne.s32 s2, $0x0  }
0x42: {  	s3 =	rddreg [dreg:$0x2];
	[bflag:$0x3] =	sbarrier.arrive $0xFFFF;
	s2 =	simm.s32 @!p0 $0x1C02  }
0x43: {  	[timem:s3], [sflag:s2] =	dma.local @!p0 [hbm:s0], s1  }
0x44: {  	s0 =	simm.s32 @!p0 $0x2  }
0x45: {  	_ =	swait.ge @!p0 [sflag:s0], s1  }
0x46: {  	s1 =	ssub.s32 @!p0 $0x0, s1;
	[sflag:s0] =	ssyncset.done @!p0 $0x0  }
0x47: {  	[sflag:s0] =	ssyncadd.s32 @!p0 s1  }
0x48: {  	[bflag:$0x3] =	sbarrier.arrive $0xFFFF  }
0x49: {  	_ =	shalt  }

</sc_bundles>
